<compile_context>
chip_gen: v7x
topology: tpu7x:2x2x1
jax: 0.10.2.dev20260603
libtpu: 0.0.44.dev20260713+nightly
codegen_flags: <defaults>
</compile_context>

<pallas_src>
import functools

import jax
import jax.numpy as jnp
from jax import lax
from jax.experimental import pallas as pl
from jax.experimental.pallas import tpu as pltpu
from jax.experimental.pallas import tpu_sc as plsc

N_PROXIES = 8192
N_CAMS = 8
PPC = N_PROXIES // N_CAMS
TEMP = 0.07
B = 1024
D = 256
TILE = 128
P = 2048
NT = P // TILE


def _sc_gather(table_hbm, idx_hbm, out_hbm, idx_v, rows_v, sem):
    nc = lax.axis_size("c")
    wid = lax.axis_index("s") * nc + lax.axis_index("c")
    bpw = idx_v.shape[0]
    base = wid * bpw
    pltpu.sync_copy(idx_hbm.at[pl.ds(base, bpw)], idx_v)
    pltpu.async_copy(table_hbm.at[idx_v], rows_v, sem).wait()
    pltpu.sync_copy(rows_v, out_hbm.at[pl.ds(base, bpw)])


def _target_rows(memory, abs_idx):
    info = plsc.get_sparse_core_info()
    nw = info.num_cores * info.num_subcores
    bpw = B // nw
    mesh = plsc.VectorSubcoreMesh(core_axis_name="c", subcore_axis_name="s")
    return functools.partial(
        pl.kernel, mesh=mesh,
        out_type=jax.ShapeDtypeStruct((B, D), jnp.float32),
        scratch_types=[
            pltpu.VMEM((bpw,), jnp.int32),
            pltpu.VMEM((bpw, D), jnp.float32),
            pltpu.SemaphoreType.DMA,
        ],
    )(_sc_gather)(memory, abs_idx)


def _tile_kernel(scal_ref, feat_ref, mem_ref, cam_ref, mabs_ref, out_ref):
    feat = feat_ref[...]
    camv = cam_ref[...]
    camsub = jax.lax.broadcasted_iota(jnp.int32, (N_CAMS, B), 0)
    ohi = (camsub == camv).astype(jnp.float32)
    cnt = jnp.sum(ohi, axis=1, keepdims=True)
    padded = jnp.floor((cnt + (TILE - 1)) * (1.0 / TILE)) * TILE
    r8 = jax.lax.broadcasted_iota(jnp.int32, (N_CAMS, N_CAMS), 0)
    c8 = jax.lax.broadcasted_iota(jnp.int32, (N_CAMS, N_CAMS), 1)
    strict_lt = (c8 < r8).astype(jnp.float32)
    starts = jax.lax.dot_general(
        strict_lt, padded, (((1,), (0,)), ((), ())),
        preferred_element_type=jnp.float32)
    ri = jax.lax.broadcasted_iota(jnp.int32, (B, B), 0)
    ci = jax.lax.broadcasted_iota(jnp.int32, (B, B), 1)
    lt_inc = (ri <= ci).astype(jnp.float32)
    incl = jax.lax.dot_general(
        ohi, lt_inc, (((1,), (0,)), ((), ())),
        preferred_element_type=jnp.float32)
    rank = jnp.sum(ohi * (incl - 1.0), axis=0, keepdims=True)
    pos = jnp.sum(ohi * starts, axis=0, keepdims=True) + rank
    winv = jnp.sum(jnp.where(ohi > 0, 1.0 / cnt, 0.0), axis=0,
                   keepdims=True)
    d = jnp.sum(feat * mabs_ref[...], axis=1, keepdims=True) * (1.0 / TEMP)
    tterm = jax.lax.dot_general(
        winv, d, (((1,), (0,)), ((), ())),
        preferred_element_type=jnp.float32)

    def body(t, acc):
        c = scal_ref[t]
        pj = (jax.lax.broadcasted_iota(jnp.int32, (TILE, 1), 0)
              + t * TILE).astype(jnp.float32)
        g = (pos == pj).astype(jnp.float32)
        x = jax.lax.dot_general(
            g, feat, (((1,), (0,)), ((), ())),
            preferred_element_type=jnp.float32)
        w = mem_ref[pl.ds(c * PPC, PPC), :]
        sim = jax.lax.dot_general(
            x, w, (((1,), (1,)), ((), ())), preferred_element_type=jnp.float32
        ) * (1.0 / TEMP)
        lse = jnp.log(jnp.sum(jnp.exp(sim), axis=1, keepdims=True))
        vb = scal_ref[NT + 1 + t]
        wc = 1.0 / lax.convert_element_type(scal_ref[2 * NT + 1 + t],
                                            jnp.float32)
        rj = jax.lax.broadcasted_iota(jnp.int32, (TILE, 1), 0)
        return acc + jnp.where(rj < vb, lse * wc, 0.0)

    n_real = scal_ref[NT]
    acc = jax.lax.fori_loop(0, n_real, body, jnp.zeros((TILE, 1), jnp.float32))
    lane = jax.lax.broadcasted_iota(jnp.int32, (1, 128), 1)
    out_ref[...] = jnp.where(lane == 0, jnp.sum(acc) - tterm[0, 0], 0.0)


def kernel(batch_feat, abs_proxy_label, camid, pseudo_cluster_label, memory,
           epoch, k, inter_loss_epoch):
    camid = camid.astype(jnp.int32)
    mabs = _target_rows(memory, abs_proxy_label.astype(jnp.int32))

    cams = jnp.arange(N_CAMS, dtype=jnp.int32)
    cnt = jnp.sum((camid[None, :] == cams[:, None]).astype(jnp.int32), axis=1)
    padded = ((cnt + TILE - 1) // TILE) * TILE
    ends = jnp.sum(jnp.where(cams[None, :] <= cams[:, None], padded[None, :], 0),
                   axis=1)
    starts = ends - padded
    tile_start = jnp.arange(NT, dtype=jnp.int32) * TILE
    tile_cam = jnp.minimum(
        jnp.sum((tile_start[:, None] >= ends[None, :]).astype(jnp.int32),
                axis=1), N_CAMS - 1)
    sel = (tile_cam[:, None] == cams[None, :])
    cnt_t = jnp.sum(jnp.where(sel, cnt[None, :], 0), axis=1)
    start_t = jnp.sum(jnp.where(sel, starts[None, :], 0), axis=1)
    vb_t = jnp.clip(start_t + cnt_t - tile_start, 0, TILE)
    n_real = ends[N_CAMS - 1] // TILE
    scalars = jnp.concatenate(
        [tile_cam, n_real[None], vb_t, jnp.maximum(cnt_t, 1)]).astype(jnp.int32)

    out = pl.pallas_call(
        _tile_kernel,
        grid_spec=pltpu.PrefetchScalarGridSpec(
            num_scalar_prefetch=1,
            grid=(1,),
            in_specs=[
                pl.BlockSpec((B, D), lambda i, tc: (0, 0)),
                pl.BlockSpec((N_PROXIES, D), lambda i, tc: (0, 0)),
                pl.BlockSpec((1, B), lambda i, tc: (0, 0)),
                pl.BlockSpec((B, D), lambda i, tc: (0, 0)),
            ],
            out_specs=pl.BlockSpec((1, 128), lambda i, tc: (0, 0)),
        ),
        out_shape=jax.ShapeDtypeStruct((1, 128), jnp.float32),
    )(scalars, batch_feat, memory, camid.reshape(1, B), mabs)
    return out[0, 0]

# --- scband reference (transcript-rebuilt; emitter-appended) ---
"""Pipeline reference for scband-proxy-memory-bank-22574348107947 (READ-ONLY COPY).

The authoritative reference and input builder live on the scoring server;
editing this copy changes nothing except your own understanding.
"""

import jax, jax.numpy as jnp
import numpy as np

N_PROXIES = 8192
N_CAMS = 8
PPC = N_PROXIES // N_CAMS
TEMP = 0.07


def setup_inputs(seed: int = 0) -> dict:
    key = jax.random.key(seed)
    k1, k2, k3, k4 = jax.random.split(key, 4)
    B, D = 1024, 256
    batch_feat = jax.random.normal(k1, (B, D), dtype=jnp.float32)
    batch_feat = batch_feat / jnp.linalg.norm(batch_feat, axis=1, keepdims=True)
    camid = jax.random.randint(k2, (B,), 0, N_CAMS).astype(jnp.int32)
    local = jax.random.randint(k3, (B,), 0, PPC).astype(jnp.int32)
    # abs proxy label consistent with the cam-to-proxy mapper: cam c owns proxies [c*PPC, (c+1)*PPC)
    abs_proxy_label = camid * PPC + local
    memory = jax.random.normal(k4, (N_PROXIES, D), dtype=jnp.float32)
    memory = memory / jnp.linalg.norm(memory, axis=1, keepdims=True)
    pseudo_cluster_label = abs_proxy_label  # unused when epoch < inter_loss_epoch
    return {
        "batch_feat": batch_feat,
        "abs_proxy_label": abs_proxy_label,
        "camid": camid,
        "pseudo_cluster_label": pseudo_cluster_label,
        "memory": memory,
        "epoch": 0,
        "k": 50,
        "inter_loss_epoch": 5,
    }


def _cross_entropy(logits, targets):
    logp = jax.nn.log_softmax(logits, axis=1)
    return -jnp.mean(jnp.take_along_axis(logp, targets[:, None], axis=1))


def reference(batch_feat, abs_proxy_label, camid, pseudo_cluster_label, memory, epoch, k, inter_loss_epoch):
    intra_loss = jnp.float32(0.0)
    for c in range(N_CAMS):
        mask = camid == c
        cnt = jnp.sum(mask)
        # mapper[c] = sorted proxies owned by cam c = [c*PPC, (c+1)*PPC)
        proxy_ids = jnp.arange(c * PPC, (c + 1) * PPC)
        percam_proxies = jnp.take(memory, proxy_ids, axis=0)
        percam_targets = jnp.where(mask, abs_proxy_label - c * PPC, 0)
        percam_sim = batch_feat @ percam_proxies.T
        percam_sim = percam_sim / TEMP
        logp = jax.nn.log_softmax(percam_sim, axis=1)
        row_loss = -jnp.take_along_axis(logp, percam_targets[:, None], axis=1)[:, 0]
        masked_sum = jnp.sum(jnp.where(mask, row_loss, jnp.float32(0.0)))
        denom = jnp.maximum(cnt, 1).astype(jnp.float32)
        intra_loss = intra_loss + jnp.where(cnt > 0, masked_sum / denom, jnp.float32(0.0))
        # epoch (0) < inter_loss_epoch (5): inter-camera branch skipped, matching torch control flow
    return intra_loss

if __name__ == "__main__":
    import jax
    _d = setup_inputs()
    print(jax.jit(kernel)(*tuple(_d.values())))

</pallas_src>

<mosaic_0001>
#map = affine_map<(d0, d1) -> (0, 0)>
#map1 = affine_map<(d0, d1) -> (0)>
module attributes {stable_mosaic.version = 14 : i64} {
  func.func @_sc_gather(%arg0: i32, %arg1: i32, %arg2: memref<8192x256xf32, #tpu.memory_space<hbm>>, %arg3: memref<1024xi32, #tpu.memory_space<hbm>>, %arg4: memref<1024x256xf32, #tpu.memory_space<hbm>>, %arg5: memref<32xi32, #tpu.memory_space<vmem>>, %arg6: memref<32x256xf32, #tpu.memory_space<vmem>>, %arg7: memref<!tpu.dma_semaphore, #tpu.memory_space<semaphore_mem>>) attributes {dimension_semantics = [#tpu.dimension_semantics<core_parallel>, #tpu.dimension_semantics<subcore_parallel>], iteration_bounds = array<i64: 2, 16>, scalar_prefetch = 0 : i64, scratch_operands = 3 : i64, tpu.core_type = #tpu.core_type<sc_vector_subcore>, window_params = [{transform_indices = #map}, {transform_indices = #map1}, {transform_indices = #map}]} {
    %mul3A = arith.constant 2 : i32
    %mul3A_0 = arith.muli %arg1, %mul3A : i32
    %add3A = arith.addi %mul3A_0, %arg0 : i32
    %mul3A_1 = arith.constant 32 : i32
    %mul3A_2 = arith.muli %add3A, %mul3A_1 : i32
    "tpu.region"() ({
      %run_scoped3A = tpu.sem_alloc : memref<!tpu.dma_semaphore, #tpu.memory_space<semaphore_mem>>
      %dma_start3A_7 = tpu.memref_slice %arg3[%mul3A_2] : memref<1024xi32, #tpu.memory_space<hbm>> -> memref<32xi32, #tpu.memory_space<hbm>>
      %dma_start3A_8 = tpu.memref_slice %arg3[%mul3A_2] : memref<1024xi32, #tpu.memory_space<hbm>> -> memref<32xi32, #tpu.memory_space<hbm>>
      tpu.enqueue_dma source(%dma_start3A_8 : memref<32xi32, #tpu.memory_space<hbm>>) target(%arg5 : memref<32xi32, #tpu.memory_space<vmem>>) target_semaphore(%run_scoped3A : memref<!tpu.dma_semaphore, #tpu.memory_space<semaphore_mem>>)
      %dma_wait3A_9 = tpu.memref_slice %arg3[%mul3A_2] : memref<1024xi32, #tpu.memory_space<hbm>> -> memref<32xi32, #tpu.memory_space<hbm>>
      %dma_wait3A_10 = tpu.memref_slice %arg3[%mul3A_2] : memref<1024xi32, #tpu.memory_space<hbm>> -> memref<32xi32, #tpu.memory_space<hbm>>
      tpu.wait_dma2 semaphore(%run_scoped3A : memref<!tpu.dma_semaphore, #tpu.memory_space<semaphore_mem>>) src(%dma_wait3A_10 : memref<32xi32, #tpu.memory_space<hbm>>) dst(%arg5 : memref<32xi32, #tpu.memory_space<vmem>>)
      tpu.yield
    }) : () -> ()
    %dma_start3A = arith.constant 0 : i32
    %dma_start3A_3 = arith.constant 0 : i32
    %dma_start3A_4 = tpu.memref_slice %arg2[%dma_start3A, %dma_start3A_3] : memref<8192x256xf32, #tpu.memory_space<hbm>> -> memref<8192x256xf32, #tpu.memory_space<hbm>>
    tpu.enqueue_indirect_dma source(%dma_start3A_4 : memref<8192x256xf32, #tpu.memory_space<hbm>>) target(%arg6 : memref<32x256xf32, #tpu.memory_space<vmem>>) offsets(%arg5 : memref<32xi32, #tpu.memory_space<vmem>>) semaphore(%arg7 : memref<!tpu.dma_semaphore, #tpu.memory_space<semaphore_mem>>)
    %dma_wait3A = arith.constant 0 : i32
    %dma_wait3A_5 = arith.constant 0 : i32
    %dma_wait3A_6 = tpu.memref_slice %arg2[%dma_wait3A, %dma_wait3A_5] : memref<8192x256xf32, #tpu.memory_space<hbm>> -> memref<8192x256xf32, #tpu.memory_space<hbm>>
    tpu.wait_indirect_dma semaphore(%arg7 : memref<!tpu.dma_semaphore, #tpu.memory_space<semaphore_mem>>) src(%dma_wait3A_6 : memref<8192x256xf32, #tpu.memory_space<hbm>>) dst(%arg6 : memref<32x256xf32, #tpu.memory_space<vmem>>)
    "tpu.region"() ({
      %run_scoped3A = tpu.sem_alloc : memref<!tpu.dma_semaphore, #tpu.memory_space<semaphore_mem>>
      %dma_start3A_7 = arith.constant 0 : i32
      %dma_start3A_8 = tpu.memref_slice %arg4[%mul3A_2, %dma_start3A_7] : memref<1024x256xf32, #tpu.memory_space<hbm>> -> memref<32x256xf32, #tpu.memory_space<hbm>>
      %dma_start3A_9 = arith.constant 0 : i32
      %dma_start3A_10 = tpu.memref_slice %arg4[%mul3A_2, %dma_start3A_9] : memref<1024x256xf32, #tpu.memory_space<hbm>> -> memref<32x256xf32, #tpu.memory_space<hbm>>
      tpu.enqueue_dma source(%arg6 : memref<32x256xf32, #tpu.memory_space<vmem>>) target(%dma_start3A_10 : memref<32x256xf32, #tpu.memory_space<hbm>>) target_semaphore(%run_scoped3A : memref<!tpu.dma_semaphore, #tpu.memory_space<semaphore_mem>>)
      %dma_wait3A_11 = arith.constant 0 : i32
      %dma_wait3A_12 = tpu.memref_slice %arg4[%mul3A_2, %dma_wait3A_11] : memref<1024x256xf32, #tpu.memory_space<hbm>> -> memref<32x256xf32, #tpu.memory_space<hbm>>
      %dma_wait3A_13 = arith.constant 0 : i32
      %dma_wait3A_14 = tpu.memref_slice %arg4[%mul3A_2, %dma_wait3A_13] : memref<1024x256xf32, #tpu.memory_space<hbm>> -> memref<32x256xf32, #tpu.memory_space<hbm>>
      tpu.wait_dma2 semaphore(%run_scoped3A : memref<!tpu.dma_semaphore, #tpu.memory_space<semaphore_mem>>) src(%arg6 : memref<32x256xf32, #tpu.memory_space<vmem>>) dst(%dma_wait3A_14 : memref<32x256xf32, #tpu.memory_space<hbm>>)
      tpu.yield
    }) : () -> ()
    return
  }
}

module attributes {stable_mosaic.version = 14 : i64} {
  func.func @_tile_kernel(%arg0: i32, %arg1: memref<49xi32, #tpu.memory_space<smem>>, %arg2: memref<1024x256xf32, #tpu.memory_space<vmem>>, %arg3: memref<8192x256xf32, #tpu.memory_space<vmem>>, %arg4: memref<1x1024xi32, #tpu.memory_space<vmem>>, %arg5: memref<1024x256xf32, #tpu.memory_space<vmem>>, %arg6: memref<1x128xf32, #tpu.memory_space<vmem>>) attributes {dimension_semantics = [#tpu.dimension_semantics<arbitrary>], iteration_bounds = array<i64: 1>, scalar_prefetch = 1 : i64, scratch_operands = 0 : i64, tpu.core_type = #tpu.core_type<tc>, window_params = [{pipeline_mode = #tpu.pipeline_mode<synchronous>, transform_indices = @transform_0, window_bounds = array<i64: 1024, 256>}, {pipeline_mode = #tpu.pipeline_mode<synchronous>, transform_indices = @transform_1, window_bounds = array<i64: 8192, 256>}, {pipeline_mode = #tpu.pipeline_mode<synchronous>, transform_indices = @transform_2, window_bounds = array<i64: 1, 1024>}, {pipeline_mode = #tpu.pipeline_mode<synchronous>, transform_indices = @transform_3, window_bounds = array<i64: 1024, 256>}, {pipeline_mode = #tpu.pipeline_mode<synchronous>, transform_indices = @transform_4, window_bounds = array<i64: 1, 128>}]} {
    %get3A = arith.constant 0 : index
    %get3A_0 = arith.constant 0 : index
    %get3A_1 = vector.load %arg2[%get3A, %get3A_0] : memref<1024x256xf32, #tpu.memory_space<vmem>>, vector<1024x256xf32>
    %get3A_2 = arith.constant 0 : index
    %get3A_3 = arith.constant 0 : index
    %get3A_4 = vector.load %arg4[%get3A_2, %get3A_3] : memref<1x1024xi32, #tpu.memory_space<vmem>>, vector<1x1024xi32>
    %iota3A = tpu.iota {dimensions = array<i32: 0>} : vector<8x1024xi32>
    %eq3A = vector.broadcast %get3A_4 : vector<1x1024xi32> to vector<8x1024xi32>
    %eq3A_5 = arith.cmpi eq, %iota3A, %eq3A : vector<8x1024xi32>
    %convert_element_type3A = arith.extui %eq3A_5 : vector<8x1024xi1> to vector<8x1024xi32>
    %convert_element_type3A_6 = arith.sitofp %convert_element_type3A : vector<8x1024xi32> to vector<8x1024xf32>
    %reduce_sum3A = arith.constant dense<0.000000e+00> : vector<8xf32>
    %reduce_sum3A_7 = vector.multi_reduction <add>, %convert_element_type3A_6, %reduce_sum3A [1] : vector<8x1024xf32> to vector<8xf32>
    %broadcast_in_dim3A = vector.shape_cast %reduce_sum3A_7 : vector<8xf32> to vector<8x1xf32>
    %add3A = arith.constant 1.270000e+02 : f32
    %add3A_8 = vector.broadcast %add3A : f32 to vector<8x1xf32>
    %add3A_9 = arith.addf %broadcast_in_dim3A, %add3A_8 : vector<8x1xf32>
    %mul3A = arith.constant 7.812500e-03 : f32
    %mul3A_10 = vector.broadcast %mul3A : f32 to vector<8x1xf32>
    %mul3A_11 = arith.mulf %add3A_9, %mul3A_10 : vector<8x1xf32>
    %floor3A = math.floor %mul3A_11 : vector<8x1xf32>
    %mul3A_12 = arith.constant 1.280000e+02 : f32
    %mul3A_13 = vector.broadcast %mul3A_12 : f32 to vector<8x1xf32>
    %mul3A_14 = arith.mulf %floor3A, %mul3A_13 : vector<8x1xf32>
    %iota3A_15 = tpu.iota {dimensions = array<i32: 0>} : vector<8x8xi32>
    %iota3A_16 = tpu.iota {dimensions = array<i32: 1>} : vector<8x8xi32>
    %lt3A = arith.cmpi slt, %iota3A_16, %iota3A_15 : vector<8x8xi32>
    %convert_element_type3A_17 = arith.extui %lt3A : vector<8x8xi1> to vector<8x8xi32>
    %convert_element_type3A_18 = arith.sitofp %convert_element_type3A_17 : vector<8x8xi32> to vector<8x8xf32>
    %dot_general3A = arith.constant dense<0.000000e+00> : vector<8x1xf32>
    %dot_general3A_19 = tpu.matmul %convert_element_type3A_18, %mul3A_14, %dot_general3A {dimension_numbers = #tpu.dot_dimension_numbers<[1], [0], [0], [1], [0, 0, 1, 1], [], []>, transpose_lhs_hint = false} : vector<8x8xf32>, vector<8x1xf32>, vector<8x1xf32> -> vector<8x1xf32>
    %iota3A_20 = tpu.iota {dimensions = array<i32: 0>} : vector<1024x1024xi32>
    %iota3A_21 = tpu.iota {dimensions = array<i32: 1>} : vector<1024x1024xi32>
    %le3A = arith.cmpi sle, %iota3A_20, %iota3A_21 : vector<1024x1024xi32>
    %convert_element_type3A_22 = arith.extui %le3A : vector<1024x1024xi1> to vector<1024x1024xi32>
    %convert_element_type3A_23 = arith.sitofp %convert_element_type3A_22 : vector<1024x1024xi32> to vector<1024x1024xf32>
    %dot_general3A_24 = arith.constant dense<0.000000e+00> : vector<8x1024xf32>
    %dot_general3A_25 = tpu.matmul %convert_element_type3A_6, %convert_element_type3A_23, %dot_general3A_24 {dimension_numbers = #tpu.dot_dimension_numbers<[1], [0], [0], [1], [0, 0, 1, 1], [], []>, transpose_lhs_hint = false} : vector<8x1024xf32>, vector<1024x1024xf32>, vector<8x1024xf32> -> vector<8x1024xf32>
    %sub3A = arith.constant 1.000000e+00 : f32
    %sub3A_26 = vector.broadcast %sub3A : f32 to vector<8x1024xf32>
    %sub3A_27 = arith.subf %dot_general3A_25, %sub3A_26 : vector<8x1024xf32>
    %mul3A_28 = arith.mulf %convert_element_type3A_6, %sub3A_27 : vector<8x1024xf32>
    %reduce_sum3A_29 = arith.constant dense<0.000000e+00> : vector<1024xf32>
    %reduce_sum3A_30 = vector.multi_reduction <add>, %mul3A_28, %reduce_sum3A_29 [0] : vector<8x1024xf32> to vector<1024xf32>
    %broadcast_in_dim3A_31 = vector.shape_cast %reduce_sum3A_30 : vector<1024xf32> to vector<1x1024xf32>
    %mul3A_32 = vector.broadcast %dot_general3A_19 : vector<8x1xf32> to vector<8x1024xf32>
    %mul3A_33 = arith.mulf %convert_element_type3A_6, %mul3A_32 : vector<8x1024xf32>
    %reduce_sum3A_34 = arith.constant dense<0.000000e+00> : vector<1024xf32>
    %reduce_sum3A_35 = vector.multi_reduction <add>, %mul3A_33, %reduce_sum3A_34 [0] : vector<8x1024xf32> to vector<1024xf32>
    %broadcast_in_dim3A_36 = vector.shape_cast %reduce_sum3A_35 : vector<1024xf32> to vector<1x1024xf32>
    %add3A_37 = arith.addf %broadcast_in_dim3A_36, %broadcast_in_dim3A_31 : vector<1x1024xf32>
    %gt3A = arith.constant 0.000000e+00 : f32
    %gt3A_38 = vector.broadcast %gt3A : f32 to vector<8x1024xf32>
    %gt3A_39 = arith.cmpf ogt, %convert_element_type3A_6, %gt3A_38 : vector<8x1024xf32>
    %div3A = arith.constant 1.000000e+00 : f32
    %div3A_40 = vector.broadcast %div3A : f32 to vector<8x1xf32>
    %div3A_41 = arith.divf %div3A_40, %broadcast_in_dim3A : vector<8x1xf32>
    %jit3A = arith.constant 0.000000e+00 : f32
    %broadcast_in_dim3A_42 = vector.shape_cast %div3A_41 : vector<8x1xf32> to vector<8x1xf32>
    %broadcast_in_dim3A_43 = vector.broadcast %broadcast_in_dim3A_42 : vector<8x1xf32> to vector<8x1024xf32>
    %broadcast_in_dim3A_44 = vector.broadcast %jit3A : f32 to vector<8x1024xf32>
    %select_n3A = arith.select %gt3A_39, %broadcast_in_dim3A_43, %broadcast_in_dim3A_44 : vector<8x1024xi1>, vector<8x1024xf32>
    %reduce_sum3A_45 = arith.constant dense<0.000000e+00> : vector<1024xf32>
    %reduce_sum3A_46 = vector.multi_reduction <add>, %select_n3A, %reduce_sum3A_45 [0] : vector<8x1024xf32> to vector<1024xf32>
    %broadcast_in_dim3A_47 = vector.shape_cast %reduce_sum3A_46 : vector<1024xf32> to vector<1x1024xf32>
    %get3A_48 = arith.constant 0 : index
    %get3A_49 = arith.constant 0 : index
    %get3A_50 = vector.load %arg5[%get3A_48, %get3A_49] : memref<1024x256xf32, #tpu.memory_space<vmem>>, vector<1024x256xf32>
    %mul3A_51 = arith.mulf %get3A_1, %get3A_50 : vector<1024x256xf32>
    %reduce_sum3A_52 = arith.constant dense<0.000000e+00> : vector<1024xf32>
    %reduce_sum3A_53 = vector.multi_reduction <add>, %mul3A_51, %reduce_sum3A_52 [1] : vector<1024x256xf32> to vector<1024xf32>
    %broadcast_in_dim3A_54 = vector.shape_cast %reduce_sum3A_53 : vector<1024xf32> to vector<1024x1xf32>
    %mul3A_55 = arith.constant 14.2857141 : f32
    %mul3A_56 = vector.broadcast %mul3A_55 : f32 to vector<1024x1xf32>
    %mul3A_57 = arith.mulf %broadcast_in_dim3A_54, %mul3A_56 : vector<1024x1xf32>
    %dot_general3A_58 = arith.constant dense<0.000000e+00> : vector<1x1xf32>
    %dot_general3A_59 = tpu.matmul %broadcast_in_dim3A_47, %mul3A_57, %dot_general3A_58 {dimension_numbers = #tpu.dot_dimension_numbers<[1], [0], [0], [1], [0, 0, 1, 1], [], []>, transpose_lhs_hint = false} : vector<1x1024xf32>, vector<1024x1xf32>, vector<1x1xf32> -> vector<1x1xf32>
    %get3A_60 = arith.constant 16 : index
    %get3A_61 = memref.load %arg1[%get3A_60] : memref<49xi32, #tpu.memory_space<smem>>
    %broadcast_in_dim3A_62 = arith.constant 0.000000e+00 : f32
    %broadcast_in_dim3A_63 = vector.broadcast %broadcast_in_dim3A_62 : f32 to vector<128x1xf32>
    %while3A = arith.constant 0 : i32
    %while3A_64 = arith.subi %get3A_61, %while3A : i32
    %while3A_65 = arith.addi %while3A, %while3A_64 : i32
    %while3A_66 = arith.constant 1 : i32
    %while3A_67 = arith.divsi %while3A_64, %while3A_66 : i32
    %while3A_68 = arith.muli %while3A_67, %while3A_66 : i32
    %while3A_69 = arith.addi %while3A, %while3A_68 : i32
    %while3A_70 = arith.constant 1 : i32
    %while3A_71 = scf.for %while3A_90 = %while3A to %while3A_69 step %while3A_70 iter_args(%while3A_91 = %broadcast_in_dim3A_63) -> (vector<128x1xf32>)  : i32 {
      %get3A_92 = arith.index_cast %while3A_90 : i32 to index
      %get3A_93 = memref.load %arg1[%get3A_92] : memref<49xi32, #tpu.memory_space<smem>>
      %iota3A_94 = tpu.iota {dimensions = array<i32: 0>} : vector<128x1xi32>
      %mul3A_95 = arith.constant 128 : i32
      %mul3A_96 = arith.muli %while3A_90, %mul3A_95 : i32
      %add3A_97 = vector.broadcast %mul3A_96 : i32 to vector<128x1xi32>
      %add3A_98 = arith.addi %iota3A_94, %add3A_97 : vector<128x1xi32>
      %convert_element_type3A_99 = arith.sitofp %add3A_98 : vector<128x1xi32> to vector<128x1xf32>
      %eq3A_100 = vector.broadcast %add3A_37 : vector<1x1024xf32> to vector<128x1024xf32>
      %eq3A_101 = vector.broadcast %convert_element_type3A_99 : vector<128x1xf32> to vector<128x1024xf32>
      %eq3A_102 = arith.cmpf oeq, %eq3A_100, %eq3A_101 : vector<128x1024xf32>
      %convert_element_type3A_103 = arith.extui %eq3A_102 : vector<128x1024xi1> to vector<128x1024xi32>
      %convert_element_type3A_104 = arith.sitofp %convert_element_type3A_103 : vector<128x1024xi32> to vector<128x1024xf32>
      %dot_general3A_105 = arith.constant dense<0.000000e+00> : vector<128x256xf32>
      %dot_general3A_106 = tpu.matmul %convert_element_type3A_104, %get3A_1, %dot_general3A_105 {dimension_numbers = #tpu.dot_dimension_numbers<[1], [0], [0], [1], [0, 0, 1, 1], [], []>, transpose_lhs_hint = false} : vector<128x1024xf32>, vector<1024x256xf32>, vector<128x256xf32> -> vector<128x256xf32>
      %mul3A_107 = arith.constant 1024 : i32
      %mul3A_108 = arith.muli %get3A_93, %mul3A_107 : i32
      %get3A_109 = arith.index_cast %mul3A_108 : i32 to index
      %get3A_110 = arith.constant 0 : index
      %get3A_111 = vector.load %arg3[%get3A_109, %get3A_110] : memref<8192x256xf32, #tpu.memory_space<vmem>>, vector<1024x256xf32>
      %dot_general3A_112 = arith.constant dense<0.000000e+00> : vector<128x1024xf32>
      %dot_general3A_113 = tpu.matmul %dot_general3A_106, %get3A_111, %dot_general3A_112 {dimension_numbers = #tpu.dot_dimension_numbers<[1], [1], [0], [0], [0, 0, 1, 0], [], []>, transpose_lhs_hint = false} : vector<128x256xf32>, vector<1024x256xf32>, vector<128x1024xf32> -> vector<128x1024xf32>
      %mul3A_114 = arith.constant 14.2857141 : f32
      %mul3A_115 = vector.broadcast %mul3A_114 : f32 to vector<128x1024xf32>
      %mul3A_116 = arith.mulf %dot_general3A_113, %mul3A_115 : vector<128x1024xf32>
      %exp3A = math.exp %mul3A_116 : vector<128x1024xf32>
      %reduce_sum3A_117 = arith.constant dense<0.000000e+00> : vector<128xf32>
      %reduce_sum3A_118 = vector.multi_reduction <add>, %exp3A, %reduce_sum3A_117 [1] : vector<128x1024xf32> to vector<128xf32>
      %broadcast_in_dim3A_119 = vector.shape_cast %reduce_sum3A_118 : vector<128xf32> to vector<128x1xf32>
      %log3A = math.log %broadcast_in_dim3A_119 : vector<128x1xf32>
      %add3A_120 = arith.constant 17 : i32
      %add3A_121 = arith.addi %add3A_120, %while3A_90 : i32
      %get3A_122 = arith.index_cast %add3A_121 : i32 to index
      %get3A_123 = memref.load %arg1[%get3A_122] : memref<49xi32, #tpu.memory_space<smem>>
      %add3A_124 = arith.constant 33 : i32
      %add3A_125 = arith.addi %add3A_124, %while3A_90 : i32
      %get3A_126 = arith.index_cast %add3A_125 : i32 to index
      %get3A_127 = memref.load %arg1[%get3A_126] : memref<49xi32, #tpu.memory_space<smem>>
      %convert_element_type3A_128 = arith.sitofp %get3A_127 : i32 to f32
      %div3A_129 = arith.constant 1.000000e+00 : f32
      %div3A_130 = arith.divf %div3A_129, %convert_element_type3A_128 : f32
      %iota3A_131 = tpu.iota {dimensions = array<i32: 0>} : vector<128x1xi32>
      %lt3A_132 = vector.broadcast %get3A_123 : i32 to vector<128x1xi32>
      %lt3A_133 = arith.cmpi slt, %iota3A_131, %lt3A_132 : vector<128x1xi32>
      %mul3A_134 = vector.broadcast %div3A_130 : f32 to vector<128x1xf32>
      %mul3A_135 = arith.mulf %log3A, %mul3A_134 : vector<128x1xf32>
      %jit3A_136 = arith.constant 0.000000e+00 : f32
      %broadcast_in_dim3A_137 = vector.broadcast %jit3A_136 : f32 to vector<128x1xf32>
      %select_n3A_138 = arith.select %lt3A_133, %mul3A_135, %broadcast_in_dim3A_137 : vector<128x1xi1>, vector<128x1xf32>
      %add3A_139 = arith.addf %while3A_91, %select_n3A_138 : vector<128x1xf32>
      scf.yield %add3A_139 : vector<128x1xf32>
    }
    %while3A_72 = arith.constant 1 : i32
    %while3A_73 = scf.for %while3A_90 = %while3A_69 to %while3A_65 step %while3A_72 iter_args(%while3A_91 = %while3A_71) -> (vector<128x1xf32>)  : i32 {
      %get3A_92 = arith.index_cast %while3A_90 : i32 to index
      %get3A_93 = memref.load %arg1[%get3A_92] : memref<49xi32, #tpu.memory_space<smem>>
      %iota3A_94 = tpu.iota {dimensions = array<i32: 0>} : vector<128x1xi32>
      %mul3A_95 = arith.constant 128 : i32
      %mul3A_96 = arith.muli %while3A_90, %mul3A_95 : i32
      %add3A_97 = vector.broadcast %mul3A_96 : i32 to vector<128x1xi32>
      %add3A_98 = arith.addi %iota3A_94, %add3A_97 : vector<128x1xi32>
      %convert_element_type3A_99 = arith.sitofp %add3A_98 : vector<128x1xi32> to vector<128x1xf32>
      %eq3A_100 = vector.broadcast %add3A_37 : vector<1x1024xf32> to vector<128x1024xf32>
      %eq3A_101 = vector.broadcast %convert_element_type3A_99 : vector<128x1xf32> to vector<128x1024xf32>
      %eq3A_102 = arith.cmpf oeq, %eq3A_100, %eq3A_101 : vector<128x1024xf32>
      %convert_element_type3A_103 = arith.extui %eq3A_102 : vector<128x1024xi1> to vector<128x1024xi32>
      %convert_element_type3A_104 = arith.sitofp %convert_element_type3A_103 : vector<128x1024xi32> to vector<128x1024xf32>
      %dot_general3A_105 = arith.constant dense<0.000000e+00> : vector<128x256xf32>
      %dot_general3A_106 = tpu.matmul %convert_element_type3A_104, %get3A_1, %dot_general3A_105 {dimension_numbers = #tpu.dot_dimension_numbers<[1], [0], [0], [1], [0, 0, 1, 1], [], []>, transpose_lhs_hint = false} : vector<128x1024xf32>, vector<1024x256xf32>, vector<128x256xf32> -> vector<128x256xf32>
      %mul3A_107 = arith.constant 1024 : i32
      %mul3A_108 = arith.muli %get3A_93, %mul3A_107 : i32
      %get3A_109 = arith.index_cast %mul3A_108 : i32 to index
      %get3A_110 = arith.constant 0 : index
      %get3A_111 = vector.load %arg3[%get3A_109, %get3A_110] : memref<8192x256xf32, #tpu.memory_space<vmem>>, vector<1024x256xf32>
      %dot_general3A_112 = arith.constant dense<0.000000e+00> : vector<128x1024xf32>
      %dot_general3A_113 = tpu.matmul %dot_general3A_106, %get3A_111, %dot_general3A_112 {dimension_numbers = #tpu.dot_dimension_numbers<[1], [1], [0], [0], [0, 0, 1, 0], [], []>, transpose_lhs_hint = false} : vector<128x256xf32>, vector<1024x256xf32>, vector<128x1024xf32> -> vector<128x1024xf32>
      %mul3A_114 = arith.constant 14.2857141 : f32
      %mul3A_115 = vector.broadcast %mul3A_114 : f32 to vector<128x1024xf32>
      %mul3A_116 = arith.mulf %dot_general3A_113, %mul3A_115 : vector<128x1024xf32>
      %exp3A = math.exp %mul3A_116 : vector<128x1024xf32>
      %reduce_sum3A_117 = arith.constant dense<0.000000e+00> : vector<128xf32>
      %reduce_sum3A_118 = vector.multi_reduction <add>, %exp3A, %reduce_sum3A_117 [1] : vector<128x1024xf32> to vector<128xf32>
      %broadcast_in_dim3A_119 = vector.shape_cast %reduce_sum3A_118 : vector<128xf32> to vector<128x1xf32>
      %log3A = math.log %broadcast_in_dim3A_119 : vector<128x1xf32>
      %add3A_120 = arith.constant 17 : i32
      %add3A_121 = arith.addi %add3A_120, %while3A_90 : i32
      %get3A_122 = arith.index_cast %add3A_121 : i32 to index
      %get3A_123 = memref.load %arg1[%get3A_122] : memref<49xi32, #tpu.memory_space<smem>>
      %add3A_124 = arith.constant 33 : i32
      %add3A_125 = arith.addi %add3A_124, %while3A_90 : i32
      %get3A_126 = arith.index_cast %add3A_125 : i32 to index
      %get3A_127 = memref.load %arg1[%get3A_126] : memref<49xi32, #tpu.memory_space<smem>>
      %convert_element_type3A_128 = arith.sitofp %get3A_127 : i32 to f32
      %div3A_129 = arith.constant 1.000000e+00 : f32
      %div3A_130 = arith.divf %div3A_129, %convert_element_type3A_128 : f32
      %iota3A_131 = tpu.iota {dimensions = array<i32: 0>} : vector<128x1xi32>
      %lt3A_132 = vector.broadcast %get3A_123 : i32 to vector<128x1xi32>
      %lt3A_133 = arith.cmpi slt, %iota3A_131, %lt3A_132 : vector<128x1xi32>
      %mul3A_134 = vector.broadcast %div3A_130 : f32 to vector<128x1xf32>
      %mul3A_135 = arith.mulf %log3A, %mul3A_134 : vector<128x1xf32>
      %jit3A_136 = arith.constant 0.000000e+00 : f32
      %broadcast_in_dim3A_137 = vector.broadcast %jit3A_136 : f32 to vector<128x1xf32>
      %select_n3A_138 = arith.select %lt3A_133, %mul3A_135, %broadcast_in_dim3A_137 : vector<128x1xi1>, vector<128x1xf32>
      %add3A_139 = arith.addf %while3A_91, %select_n3A_138 : vector<128x1xf32>
      scf.yield %add3A_139 : vector<128x1xf32>
    }
    %iota3A_74 = tpu.iota {dimensions = array<i32: 1>} : vector<1x128xi32>
    %eq3A_75 = arith.constant 0 : i32
    %eq3A_76 = vector.broadcast %eq3A_75 : i32 to vector<1x128xi32>
    %eq3A_77 = arith.cmpi eq, %iota3A_74, %eq3A_76 : vector<1x128xi32>
    %reduce_sum3A_78 = vector.shape_cast %while3A_73 : vector<128x1xf32> to vector<1x128x1xf32>
    %reduce_sum3A_79 = arith.constant dense<0.000000e+00> : vector<1xf32>
    %reduce_sum3A_80 = vector.multi_reduction <add>, %reduce_sum3A_78, %reduce_sum3A_79 [1, 2] : vector<1x128x1xf32> to vector<1xf32>
    %reduce_sum3A_81 = vector.shape_cast %reduce_sum3A_80 : vector<1xf32> to vector<1x1x1xf32>
    %reduce_sum3A_82 = vector.extract %reduce_sum3A_81[0, 0, 0] : f32 from vector<1x1x1xf32>
    %squeeze3A = vector.extract %dot_general3A_59[0, 0] : f32 from vector<1x1xf32>
    %sub3A_83 = arith.subf %reduce_sum3A_82, %squeeze3A : f32
    %jit3A_84 = arith.constant 0.000000e+00 : f32
    %broadcast_in_dim3A_85 = vector.broadcast %sub3A_83 : f32 to vector<1x128xf32>
    %broadcast_in_dim3A_86 = vector.broadcast %jit3A_84 : f32 to vector<1x128xf32>
    %select_n3A_87 = arith.select %eq3A_77, %broadcast_in_dim3A_85, %broadcast_in_dim3A_86 : vector<1x128xi1>, vector<1x128xf32>
    %swap3A = arith.constant 0 : index
    %swap3A_88 = arith.constant 0 : index
    %swap3A_89 = vector.load %arg6[%swap3A, %swap3A_88] : memref<1x128xf32, #tpu.memory_space<vmem>>, vector<1x128xf32>
    tpu.vector_store %arg6[%swap3A, %swap3A_88], %select_n3A_87 {strides = array<i32>} : memref<1x128xf32, #tpu.memory_space<vmem>>, vector<1x128xf32>,
    return
  }
  func.func @transform_0(%arg0: i32, %arg1: memref<49xi32, #tpu.memory_space<smem>>) -> (i32, i32) {
    %c0_i32 = arith.constant 0 : i32
    %c0_i32_0 = arith.constant 0 : i32
    %c0_i32_1 = arith.constant 0 : i32
    return %c0_i32, %c0_i32_0 : i32, i32
  }
  func.func @transform_1(%arg0: i32, %arg1: memref<49xi32, #tpu.memory_space<smem>>) -> (i32, i32) {
    %c0_i32 = arith.constant 0 : i32
    %c0_i32_0 = arith.constant 0 : i32
    %c0_i32_1 = arith.constant 0 : i32
    return %c0_i32, %c0_i32_0 : i32, i32
  }
  func.func @transform_2(%arg0: i32, %arg1: memref<49xi32, #tpu.memory_space<smem>>) -> (i32, i32) {
    %c0_i32 = arith.constant 0 : i32
    %c0_i32_0 = arith.constant 0 : i32
    %c0_i32_1 = arith.constant 0 : i32
    return %c0_i32, %c0_i32_0 : i32, i32
  }
  func.func @transform_3(%arg0: i32, %arg1: memref<49xi32, #tpu.memory_space<smem>>) -> (i32, i32) {
    %c0_i32 = arith.constant 0 : i32
    %c0_i32_0 = arith.constant 0 : i32
    %c0_i32_1 = arith.constant 0 : i32
    return %c0_i32, %c0_i32_0 : i32, i32
  }
  func.func @transform_4(%arg0: i32, %arg1: memref<49xi32, #tpu.memory_space<smem>>) -> (i32, i32) {
    %c0_i32 = arith.constant 0 : i32
    %c0_i32_0 = arith.constant 0 : i32
    %c0_i32_1 = arith.constant 0 : i32
    return %c0_i32, %c0_i32_0 : i32, i32
  }
}

</mosaic_0001>

<sc_bundles>
// kernel: kernel.4.cloned.1.call-start
scs
__scs_entry_jumppad:
0x0: {  	(pc) =	sbr.rel $0x88, $3  }
0x1: {  	(tag) =	ssettag $0x0;
	lr =	simm.s32 $0x1  }
0x2: {  	[smem:$0x3F9D] =	sst lr;
	_ =	strace $0xD0000000  }
0x3: {  	_ = 	snop  }
0x4: {  	_ = 	snop  }
0x5: {  	_ = 	snop  }
0x6: {  	_ = 	snop  }
0x7: {  	_ = 	snop  }
__scs_overlays_trampoline_lowered:
0x8: {  	[smem:$0x3FAC] =	sst s0  }
0x9: {  	[smem:$0x3FAD] =	sst s1  }
0xa: {  	[smem:$0x3FAE] =	sst s2  }
0xb: {  	[smem:$0x3FAF] =	sst s3  }
0xc: {  	[smem:$0x3FB0] =	sst s4  }
0xd: {  	[smem:$0x3FB1] =	sst s5  }
0xe: {  	[smem:$0x3FB2] =	sst s6  }
0xf: {  	[smem:$0x3FB3] =	sst s7  }
0x10: {  	[smem:$0x3FB4] =	sst s8  }
0x11: {  	[smem:$0x3FB5] =	sst s9;
	s0 =	simm.s32 @!p0 $0x0  }
0x12: {  	s1 =	sld [smem:$0x3F9B];
	s0 =	simm.s32 @p0 $0x1  }
0x13: {  	[smem:$0x3FB6] =	sst s0;
	s0 =	simm.s32 @!p1 $0x0  }
0x14: {  	s2 =	sld [smem:$0x3F9A];
	s0 =	simm.s32 @p1 $0x1  }
0x15: {  	[smem:$0x3FB7] =	sst s0;
	s0 =	simm.s32 @!p2 $0x0  }
0x16: {  	s3 =	sld [smem:$0x3FDB];
	s0 =	simm.s32 @p2 $0x1  }
0x17: {  	s4 =	simm.s32 $0x1BF5;
	[smem:$0x3FB9] =	sst s0  }
0x18: {  	s0 =	sld [smem:$0x3F9C];
	_ =	swait.ge [sflag:s4], $0x0  }
0x19: {  	s7 =	sld [smem:$0x3F9D]  }
0x1a: {  	s8 =	sadd.s32 $0xFFFFE003, lr  }
0x1b: {  	s9 =	sadd.s32 $0xFFFFFEF7, lr;
	s5 =	simm.s32 $0xFFFFFFFF;
	p2 =	slt.u32 s8, $0xFFFFF086  }
0x1c: {  	p1 =	slt.u32 s9, $0xF7A;
	s5 =	simm.s32 @!p2 $0x0  }
0x1d: {  	s5 =	simm.s32 @p1 $0x1;
	p0 =	seq.s32 s7, s2  }
0x1e: {  	s7 =	smul.u32 @!p0 $0xF7A, s2;
	p2 =	seq.s32 @!p0 s5, $0x0  }
0x1f: {  	s9 =	smul.u32 $0xF7A, s1;
	s8 =	simm.s32 @!p0 $0x1BF5;
	p2 =	por !p2, p0  }
0x20: {  	[sflag:s8] =	ssyncset.s32 @!p0 $0xFFFFF086;
	s6 =	sadd.s32 @!p0 s3, s7;
	s7 =	simm.s32 @!p0 $0x108  }
0x21: {  	s3 =	sadd.s32 s3, s9;
	s6 =	sadd.s32 @!p0 $0x88, s6;
	s7 =	simm.s32 @p2 $0x1082  }
0x22: {  	[simem:s7], [sflag:s8] =	dma.local @!p0 [hbm:s6], $0xF7A  }
0x23: {  	s9 =	sor.u32 $0xD0000000, s2;
	s6 =	simm.s32 $0x108;
	_ =	swait.ge @!p0 [sflag:s8], $0x0  }
0x24: {  	s3 =	sadd.s32 $0x88, s3;
	s6 =	simm.s32 @!p1 $0x1082;
	[sflag:s4] =	ssyncset.s32 $0xFFFFF086  }
0x25: {  	[simem:s6], [sflag:s4] =	dma.local [hbm:s3], $0xF7A  }
0x26: {  	[smem:$0x3F9D] =	sst s1;
	(tag) =	ssettag s2;
	_ =	strace s9  }
0x27: {  	s1 =	sld [smem:$0x3FAD]  }
0x28: {  	s2 =	sld [smem:$0x3FAE]  }
0x29: {  	s4 =	sld [smem:$0x3FB0]  }
0x2a: {  	p0 =	seq.s32 s5, $0x0;
	s5 =	sld [smem:$0x3FB1]  }
0x2b: {  	s6 =	sld [smem:$0x3FB2]  }
0x2c: {  	s7 =	sld [smem:$0x3FB3]  }
0x2d: {  	s3 =	simm.s32 $0x108;
	s8 =	sld [smem:$0x3FB4]  }
0x2e: {  	s3 =	simm.s32 @!p0 $0x1082;
	s9 =	sld [smem:$0x3FB5]  }
0x2f: {  	lr =	sadd.s32 s0, s3;
	s0 =	sld [smem:$0x3FAC]  }
0x30: {  	s3 =	sld [smem:$0x3FAF]  }
0x31: {  	[smem:$0x3FB8] =	sst s10  }
0x32: {  	s10 =	sld [smem:$0x3FB6];
	_ =	sdelay $0x3  }
0x33: {  	p0 =	seq.s32 s10, $0x1;
	s10 =	sld [smem:$0x3FB8];
	_ =	sdelay $0x3  }
0x34: {  	[smem:$0x3FB8] =	sst s10  }
0x35: {  	s10 =	sld [smem:$0x3FB7];
	_ =	sdelay $0x3  }
0x36: {  	p1 =	seq.s32 s10, $0x1;
	s10 =	sld [smem:$0x3FB8];
	_ =	sdelay $0x3  }
0x37: {  	[smem:$0x3FB8] =	sst s10  }
0x38: {  	s10 =	sld [smem:$0x3FB9]  }
0x39: {  	_ = 	snop;
	(pc) =	sbr.ind lr, $3  }
0x3a: {  	_ = 	snop  }
0x3b: {  	_ = 	snop  }
0x3c: {  	p2 =	seq.s32 s10, $0x1;
	s10 =	sld [smem:$0x3FB8]  }
0x3d: {  	_ =	shalt  }
0x3e: {  	_ =	shalt  }
0x3f: {  	_ =	shalt  }
0x40: {  	_ =	shalt  }
0x41: {  	_ =	shalt  }
0x42: {  	_ =	shalt  }
0x43: {  	_ =	shalt  }
0x44: {  	_ =	shalt  }
0x45: {  	_ =	shalt  }
0x46: {  	_ =	shalt  }
0x47: {  	_ =	shalt  }
0x48: {  	_ =	shalt  }
0x49: {  	_ =	shalt  }
0x4a: {  	_ =	shalt  }
0x4b: {  	_ =	shalt  }
0x4c: {  	_ =	shalt  }
0x4d: {  	_ =	shalt  }
0x4e: {  	_ =	shalt  }
0x4f: {  	_ =	shalt  }
0x50: {  	_ =	shalt  }
0x51: {  	_ =	shalt  }
0x52: {  	_ =	shalt  }
0x53: {  	_ =	shalt  }
0x54: {  	_ =	shalt  }
0x55: {  	_ =	shalt  }
0x56: {  	_ =	shalt  }
0x57: {  	_ =	shalt  }
0x58: {  	_ =	shalt  }
0x59: {  	_ =	shalt  }
0x5a: {  	_ =	shalt  }
0x5b: {  	_ =	shalt  }
0x5c: {  	_ =	shalt  }
0x5d: {  	_ =	shalt  }
0x5e: {  	_ =	shalt  }
0x5f: {  	_ =	shalt  }
0x60: {  	_ =	shalt  }
0x61: {  	_ =	shalt  }
0x62: {  	_ =	shalt  }
0x63: {  	_ =	shalt  }
0x64: {  	_ =	shalt  }
0x65: {  	_ =	shalt  }
0x66: {  	_ =	shalt  }
0x67: {  	_ =	shalt  }
0x68: {  	_ =	shalt  }
0x69: {  	_ =	shalt  }
0x6a: {  	_ =	shalt  }
0x6b: {  	_ =	shalt  }
0x6c: {  	_ =	shalt  }
0x6d: {  	_ =	shalt  }
0x6e: {  	_ =	shalt  }
0x6f: {  	_ =	shalt  }
0x70: {  	_ =	shalt  }
0x71: {  	_ =	shalt  }
0x72: {  	_ =	shalt  }
0x73: {  	_ =	shalt  }
0x74: {  	_ =	shalt  }
0x75: {  	_ =	shalt  }
0x76: {  	_ =	shalt  }
0x77: {  	_ =	shalt  }
0x78: {  	_ =	shalt  }
0x79: {  	_ =	shalt  }
0x7a: {  	_ =	shalt  }
0x7b: {  	_ =	shalt  }
0x7c: {  	_ =	shalt  }
0x7d: {  	_ =	shalt  }
0x7e: {  	_ =	shalt  }
0x7f: {  	_ =	shalt  }
0x80: {  	_ =	shalt  }
0x81: {  	_ =	shalt  }
0x82: {  	_ =	shalt  }
0x83: {  	_ =	shalt  }
0x84: {  	_ =	shalt  }
0x85: {  	_ =	shalt  }
0x86: {  	_ =	shalt  }
0x87: {  	_ =	shalt  }
.Lfunc_end0:
.L_simem_size_0:
called_computation_lowered:
.L_overlay_start_0:
0x88: {  	s2 =	sld [smem:$0x3FD9]  }
0x89: {  	s3 =	sld [smem:$0x3FFE];
	_ =	sdelay $0x1  }
0x8a: {  	s1 =	srdreg.scid  }
0x8b: {  	s0 =	sand.u32 $0x1, s1  }
0x8c: {  	s17 =	sshll.u32 s0, $0xA;
	s2 =	sadd.s32 s3, s2  }
0x8d: {  	s2 =	sadd.s32 s2, s17  }
0x8e: {  	[smem:$0x3FC4] =	sst s2  }
0x8f: {  	_ = 	snop  }
0x90: {  	s2 =	sld [smem:$0x3FC8]  }
0x91: {  	s18 =	sld [smem:$0x3FC6];
	(tm) =	ssettm $0x1  }
0x92: {  	s4 =	sld [smem:$0x3FFB];
	_ =	sdelay $0x3  }
0x93: {  	_ =	strace s4  }
0x94: {  	s4 =	sld [smem:$0x3FFC];
	_ =	sdelay $0x3  }
0x95: {  	_ =	strace s4  }
0x96: {  	s4 =	sld [smem:$0x3FFD];
	_ =	sdelay $0x3  }
0x97: {  	_ =	strace s4  }
0x98: {  	_ =	strace $0x8FFFFFFF  }
0x99: {  	s19 =	sld [smem:$0x3FDB];
	_ =	sdelay $0x1  }
0x9a: {  	s5 =	simm.s32 $_scs_section_size  }
0x9b: {  	s6 =	simm.s32 $_size__tile_overlayer_lowered;
	s7 =	simm.s32 $_tile_overlayer_lowered  }
0x9c: {  	s22 =	simm.s32 $0x1BFF;
	s21 =	sshll.u32 s7, $0x1;
	s4 =	sadd.s32 s5, s19  }
0x9d: {  	s8 =	simm.s32 $0x0;
	s20 =	sshll.u32 s6, $0x1;
	s6 =	sadd.s32 s21, s4  }
0x9e: {  	[timem:s8], [sflag:s22] =	dma.local [hbm:s6], s20  }
0x9f: {  	_ =	swait.ge [sflag:s22], s20  }
0xa0: {  	s5 =	ssub.s32 $0x0, s20;
	[sflag:s22] =	ssyncset.done $0x0  }
0xa1: {  	[sflag:s22] =	ssyncadd.s32 s5;
	_ =	sdelay $0x1  }
0xa2: {  	s23 =	simm.s32 $0x1B8B  }
0xa3: {  	_ =	swait.ge [sflag:s23], $0x1  }
0xa4: {  	[sflag:s23] =	ssyncset.done $0x0  }
0xa5: {  	s25 =	simm.s32 $0x1B8E;
	s24 =	sld [smem:$0x3FFE];
	[sflag:s23] =	ssyncadd.s32 $0xFFFFFFFF  }
0xa6: {  	s26 =	simm.s32 $execute0_lowered;
	[smem:$0x3FD2] =	sst s25  }
0xa7: {  	s6 =	sshll.u32 s26, $0x1;
	_ =	strace $0x80000046;
	[dreg:$0x1] =	wrdreg $0xFFFFFFFF  }
0xa8: {  	s28 =	simm.s32 $_size_execute0_lowered;
	s4 =	sadd.s32 s4, s6;
	[dreg:$0x0] =	wrdreg $0x0  }
0xa9: {  	s6 =	sshll.u32 s28, $0x1;
	[dreg:$0x2] =	wrdreg s4  }
0xaa: {  	[dreg:$0x3] =	wrdreg s6  }
0xab: {  	[dreg:$0x4] =	wrdreg $0xC0  }
0xac: {  	_ =	task [dreg:s8], $0x5FFFF  }
0xad: {  	[dreg:$0x1] =	wrdreg $0xFFFFFFFF  }
0xae: {  	[dreg:$0x0] =	wrdreg $0x60  }
0xaf: {  	[dreg:$0x2] =	wrdreg s18  }
0xb0: {  	[dreg:$0x3] =	wrdreg s2  }
0xb1: {  	[dreg:$0x4] =	wrdreg s24  }
0xb2: {  	[dreg:$0x5] =	wrdreg $0x9  }
0xb3: {  	_ =	task.clear_ibuf [dreg:s8], $0x6FFFF;
	_ =	strace $0x90000046  }
0xb4: {  	s29 =	simm.s32 $0x9;
	_ =	strace $0x80000048  }
0xb5: {  	_ =	swait.ge [sflag:s29], $0x1  }
0xb6: {  	[sflag:s29] =	ssyncadd.s32 $0xFFFFFFFF  }
0xb7: {  	_ =	strace $0x90000048  }
0xb8: {  	_ =	sfence  }
0xb9: {  	s30 =	sld [smem:$0x0];
	_ =	sdelay $0x2  }
0xba: {  	s31 =	sshll.u32 s1, $0xD;
	s1 =	sshrl.u32 s1, $0x2  }
0xbb: {  	s3 =	sand.u32 $0x4000, s31;
	s1 =	sadd.s32 s1, s30  }
0xbc: {  	s0 =	sor.u32 s3, s0;
	s1 =	sshll.u32 s1, $0x11  }
0xbd: {  	s0 =	sor.u32 s1, s0  }
0xbe: {  	s0 =	sadd.s32 $0x8F2B, s0  }
0xbf: {  	[sflag:s0] =	ssyncadd.remote.s32 $0x1  }
0xc0: {  	_ =	sfence.sel $0xFFFF  }
0xc1: {  	[dreg:$0x0] =	wrdreg $0xFFFFFFFF;
	(pc) =	sbr.abs _section_cstart, $3  }
0xc2: {  	[dreg:$0x1] =	wrdreg $0xFFFFFFFF  }
0xc3: {  	_ =	task.clear_ibuf [dreg:s8], $0x2FFFF;
	_ =	strace $0x9FFFFFFF  }
0xc4: {  	(tm) =	ssettm $0x7FFFFFFF  }
0xc5: {  	_ =	shalt  }
tec
execute0_lowered:
.L_overlay_start_1:
0x0: {  	(tag) =	ssettag $0x1  }
0x1: {  	s1 =	rddreg [dreg:$0x0]  }
0x2: {  	s4 =	rddreg [dreg:$0x1]  }
0x3: {  	s5 =	rddreg [dreg:$0x2]  }
0x4: {  	s0 =	rddreg [dreg:$0x3];
	s3 =	simm.s32 $0x0;
	s6 =	srdreg.scid  }
0x5: {  	s2 =	stileid.u32;
	s10 =	simm.s32 $0x1080;
	s11 =	simm.s32 $0x1880  }
0x6: {  	s12 =	simm.s32 $0x1;
	[smem:$0x7FF] =	sst s3;
	s6 =	sand.u32 $0x1, s6  }
0x7: {  	s8 =	sshll.u32 s2, $0x6;
	s7 =	ssub.s32 $0x2, s6;
	s6 =	sshll.u32 s6, $0x5  }
0x8: {  	_ =	strace $0x80000047;
	s9 =	sshrl.u32 s7, $0x1;
	s6 =	sor.u32 s6, s8  }
0x9: {  	v2 =	vlaneseq.u32;
	s7 =	ssub.s32 s7, s9;
	s8 =	sshrl.u32 s6, $0x3;
	s6 =	sshll.u32 s6, $0x5  }
0xa: {  	vm0 =	vmmov $0xffff;
	v1 =	vshrl.u32 v2, $0x3;
	s9 =	simm.s32 $0x880;
	s4 =	sadd.s32 s4, s8;
	s5 =	sadd.s32 s5, s6  }
0xb: {  	v0 =	vand.u32 $0x7, v2;
	v2 =	vor.u32 $0x8, v2;
	v1 =	vmul.u32 $0x8, v1;
	s6 =	smax.u32 s7, $0x1;
	s7 =	simm.s32 $0x2;
	s8 =	simm.s32 $0x80  }
.LBB2_1:
0xc: {  	[tilespmem:s3], [sflag:$0x2] =	stream.linear.gather [hbm4b:s4+s3], $0x20, $0x38;
	[tilespmem:$0x2080] =	vst v63  }
0xd: {  	_ =	swait.ge [sflag:s7], $0x20  }
0xe: {  	[sflag:s7] =	ssyncset.done $0x0  }
0xf: {  	[sflag:s7] =	ssyncadd.s32 $0xFFFFFFE0  }
0x10: {  	v3 =	vld [tilespmem:$0x0];
	_ =	sdelay $0x4  }
0x11: {  	v4 =	vshll.u32 v3, $0x1  }
0x12: {  	v3 =	vand.u32 $0x7, v3;
	v4 =	vand.u32 $0xFFFFFFF0, v4  }
0x13: {  	v3 =	vor.u32 v3, v4  }
0x14: {  	v4 =	vperm.xlane v3, v0;
	_ =	sdelay $0x1  }
0x15: {  	v3 =	vperm.xlane v3, v2;
	v4 =	vadd.s32 v1, v4;
	_ =	sdelay $0x1  }
0x16: {  	v3 =	vadd.s32 v1, v3;
	_ =	sdelay $0x2  }
0x17: {  	[tilespmem:s8], [sflag:$0x1] =	stream.indirect_vreg.gather [hbm4b:s1+s3], $0x80, v4, vm0, $0xb8;
	[tilespmem:$0x2080] =	vst v63  }
0x18: {  	_ = 	snop  }
0x19: {  	[tilespmem:s9], [sflag:$0x1] =	stream.indirect_vreg.gather [hbm4b:s1+s3], $0x80, v3, vm0, $0xb8;
	[tilespmem:$0x2080] =	vst v63  }
0x1a: {  	v3 =	vld [tilespmem:$0x10];
	_ =	sdelay $0x4  }
0x1b: {  	v63 =	vshll.u32 v3, $0x1  }
0x1c: {  	v3 =	vand.u32 $0x7, v3;
	v4 =	vand.u32 $0xFFFFFFF0, v63  }
0x1d: {  	v3 =	vor.u32 v3, v4  }
0x1e: {  	v4 =	vperm.xlane v3, v0;
	_ =	sdelay $0x1  }
0x1f: {  	v3 =	vperm.xlane v3, v2;
	v4 =	vadd.s32 v1, v4;
	_ =	sdelay $0x1  }
0x20: {  	v3 =	vadd.s32 v1, v3;
	_ =	sdelay $0x2  }
0x21: {  	[tilespmem:s10], [sflag:$0x1] =	stream.indirect_vreg.gather [hbm4b:s1+s3], $0x80, v4, vm0, $0xb8;
	[tilespmem:$0x2080] =	vst v63  }
0x22: {  	_ = 	snop  }
0x23: {  	[tilespmem:s11], [sflag:$0x1] =	stream.indirect_vreg.gather [hbm4b:s1+s3], $0x80, v3, vm0, $0xb8;
	[tilespmem:$0x2080] =	vst v63  }
0x24: {  	_ =	swait.ge [sflag:s12], $0x2000  }
0x25: {  	p0 =	sne.s32 s6, $0x1;
	[sflag:s12] =	ssyncset.done $0x0  }
.Ltmp0:
0x26: {  	[sflag:s12] =	ssyncadd.s32 $0xFFFFE000;
	(pc) =	sbr.rel @p0 .LBB2_1-.Ltmp0, $4  }
0x27: {  	[hbm4b:s5+s3] =	stream.linear.scatter [tilespmem:s8], [sflag:$0x2], $0x2000, $0x38;
	[tilespmem:$0x2080] =	vst v63  }
0x28: {  	_ =	swait.ge [sflag:s7], $0x2000  }
0x29: {  	[sflag:s7] =	ssyncset.done $0x0  }
0x2a: {  	s6 =	sadd.s32 $0xFFFFFFFF, s6;
	[sflag:s7] =	ssyncadd.s32 $0xFFFFE000  }
0x2b: {  	_ =	sfence.sel $0x180000  }
0x2c: {  	[bflag:$0x0] =	sbarrier.arrive $0xFFFF  }
0x2d: {  	p0 =	sne.s32 s2, $0x0;
	_ =	strace $0x90000047  }
0x2e: {  	s0 =	sadd.s32 @!p0 $0x100000, s0;
	[bflag:$0x2] =	sbarrier.arrive $0xFFFF  }
0x2f: {  	[sflag:s0] =	ssyncadd.tile.s32 @!p0 $0x1;
	_ =	shalt  }
.Lfunc_end2:
_tile_overlayer_lowered:
.L_overlay_start_2:
0x30: {  	(tag) =	ssettag $0x2  }
0x31: {  	s0 =	rddreg [dreg:$0x0];
	s2 =	stileid.u32  }
0x32: {  	s1 =	rddreg [dreg:$0x1];
	p0 =	sne.s32 s2, $0x0  }
0x33: {  	s3 =	rddreg [dreg:$0x2];
	[bflag:$0x3] =	sbarrier.arrive $0xFFFF;
	s2 =	simm.s32 @!p0 $0x1C02  }
0x34: {  	[timem:s3], [sflag:s2] =	dma.local @!p0 [hbm:s0], s1  }
0x35: {  	s0 =	simm.s32 @!p0 $0x2  }
0x36: {  	_ =	swait.ge @!p0 [sflag:s0], s1  }
0x37: {  	s1 =	ssub.s32 @!p0 $0x0, s1;
	[sflag:s0] =	ssyncset.done @!p0 $0x0  }
0x38: {  	[sflag:s0] =	ssyncadd.s32 @!p0 s1  }
0x39: {  	[bflag:$0x3] =	sbarrier.arrive $0xFFFF  }
0x3a: {  	_ =	shalt  }

</sc_bundles>
